<compile_context>
chip_gen: v7x
topology: tpu7x:2x2x1
jax: 0.10.2.dev20260603
libtpu: 0.0.44.dev20260713+nightly
codegen_flags: <defaults>
</compile_context>

<pallas_src>
import functools

import jax
import jax.numpy as jnp
from jax import lax
from jax.experimental import pallas as pl
from jax.experimental.pallas import tpu as pltpu
from jax.experimental.pallas import tpu_sc as plsc

_B, _N, _D = 16, 4096, 256
_K = 10
_LANES = 16
_NCHUNK = _N // _LANES
_NC = 2


def _sc_body(mask_hbm, x_hbm, out_hbm, mask_v, idx_v, rows_v, sem):
    wid = lax.axis_index("s") * _NC + lax.axis_index("c")

    @pl.when(wid < _B)
    def _():
        b = wid
        pltpu.sync_copy(mask_hbm.at[b], mask_v)
        idx_v[...] = jnp.full((_LANES,), b * _N, jnp.int32)

        def cond(state):
            j, carry = state
            return (carry < _K) & (j >= 0)

        def step(state):
            j, carry = state
            m = mask_v[pl.ds(j * _LANES, _LANES)]
            cs = plsc.cumsum(m)
            total = jnp.sum(m)
            rc = total - cs + m
            c = rc + carry
            keep = (m > 0) & (c <= _K)
            slot = jnp.clip(_K - c, 0, _LANES - 1)
            gidx = b * _N + j * _LANES + lax.iota(jnp.int32, _LANES)
            plsc.store_scatter(idx_v, [slot], gidx, mask=keep)
            return j - 1, carry + total

        lax.while_loop(cond, step, (jnp.int32(_NCHUNK - 1), jnp.int32(0)))
        pltpu.async_copy(x_hbm.at[idx_v], rows_v, sem).wait()
        pltpu.sync_copy(rows_v, out_hbm.at[b])


def kernel(x, layer_layouts, node_mask):
    del layer_layouts
    mask_i32 = node_mask.astype(jnp.int32)
    x2d = x.reshape(_B * _N, _D)

    run = functools.partial(
        pl.kernel,
        out_type=jax.ShapeDtypeStruct((_B, _LANES, _D), jnp.float32),
        mesh=plsc.VectorSubcoreMesh(core_axis_name="c", subcore_axis_name="s"),
        compiler_params=pltpu.CompilerParams(
            use_tc_tiling_on_sc=True, needs_layout_passes=False
        ),
        scratch_types=[
            pltpu.VMEM((_N,), jnp.int32),
            pltpu.VMEM((_LANES,), jnp.int32),
            pltpu.VMEM((_LANES, _D), jnp.float32),
            pltpu.SemaphoreType.DMA,
        ],
    )(_sc_body)

    out = run(mask_i32, x2d)
    return out[:, :_K, :].reshape(_B, _K * _D)

# --- scband reference (transcript-rebuilt; emitter-appended) ---
"""Pipeline reference for scband-heterogeneous-aggregator-35673998360763 (READ-ONLY COPY).

The authoritative reference and input builder live on the scoring server;
editing this copy changes nothing except your own understanding.
"""

import jax, jax.numpy as jnp
import numpy as np

B, N, D = 16, 4096, 256
NUM_CLASSES = 10

def setup_inputs(seed: int = 0) -> dict:
    key = jax.random.key(seed)
    k1, k2 = jax.random.split(key)
    x = jax.random.normal(k1, (B, N, D), dtype=jnp.float32)
    layer_layouts = jnp.ones((B, 2), dtype=jnp.int32)  # unused in 'last' path
    node_mask = jnp.ones((B, N), dtype=bool)
    return {"x": x, "layer_layouts": layer_layouts, "node_mask": node_mask}

def reference(x, layer_layouts, node_mask):
    # get_last_layer_indices with return_dense=True (pooling_method='cat', pooling_layer_idx='last')
    valid_layer_indices = jnp.arange(node_mask.shape[1], dtype=jnp.int32)[None, :] * node_mask.astype(jnp.int32)
    top_vals, _ = jax.lax.top_k(valid_layer_indices, NUM_CLASSES)
    last_layer_indices = top_vals[:, ::-1]  # fliplr
    batch_indices = jnp.arange(x.shape[0])[:, None]
    flat_x = x[batch_indices, last_layer_indices]  # [B, num_classes, D]
    # CatAggregation: nn.Flatten(1, 2)
    out = flat_x.reshape(flat_x.shape[0], flat_x.shape[1] * flat_x.shape[2])
    return out

if __name__ == "__main__":
    import jax
    _d = setup_inputs()
    print(jax.jit(kernel)(*tuple(_d.values())))

</pallas_src>

<mosaic_0001>
#map = affine_map<(d0, d1) -> (0, 0)>
#map1 = affine_map<(d0, d1) -> (0, 0, 0)>
module attributes {stable_mosaic.version = 14 : i64} {
  func.func @_sc_body(%arg0: i32, %arg1: i32, %arg2: memref<16x4096xi32, #tpu.memory_space<hbm>>, %arg3: memref<65536x256xf32, #tpu.memory_space<hbm>>, %arg4: memref<16x16x256xf32, #tpu.memory_space<hbm>>, %arg5: memref<4096xi32, #tpu.memory_space<vmem>>, %arg6: memref<16xi32, #tpu.memory_space<vmem>>, %arg7: memref<16x256xf32, #tpu.memory_space<vmem>>, %arg8: memref<!tpu.dma_semaphore, #tpu.memory_space<semaphore_mem>>) attributes {dimension_semantics = [#tpu.dimension_semantics<core_parallel>, #tpu.dimension_semantics<subcore_parallel>], iteration_bounds = array<i64: 2, 16>, scalar_prefetch = 0 : i64, scratch_operands = 4 : i64, tpu.core_type = #tpu.core_type<sc_vector_subcore>, window_params = [{transform_indices = #map}, {transform_indices = #map}, {transform_indices = #map1}]} {
    %mul3A = arith.constant 2 : i32
    %mul3A_0 = arith.muli %arg1, %mul3A : i32
    %add3A = arith.addi %mul3A_0, %arg0 : i32
    %lt3A = arith.constant 16 : i32
    %lt3A_1 = arith.cmpi slt, %add3A, %lt3A : i32
    %convert_element_type3A = arith.extui %lt3A_1 : i1 to i32
    %cond3A = arith.constant 0 : i32
    %cond3A_2 = arith.cmpi ne, %convert_element_type3A, %cond3A : i32
    scf.if %cond3A_2 {
      "tpu.region"() ({
        %run_scoped3A = tpu.sem_alloc : memref<!tpu.dma_semaphore, #tpu.memory_space<semaphore_mem>>
        %dma_start3A_12 = arith.constant 0 : i32
        %dma_start3A_13 = tpu.memref_slice %arg2[%add3A, %dma_start3A_12] : memref<16x4096xi32, #tpu.memory_space<hbm>> -> memref<1x4096xi32, #tpu.memory_space<hbm>>
        %dma_start3A_14 = tpu.memref_squeeze %dma_start3A_13 : memref<1x4096xi32, #tpu.memory_space<hbm>> -> memref<4096xi32, #tpu.memory_space<hbm>>
        %dma_start3A_15 = arith.constant 0 : i32
        %dma_start3A_16 = tpu.memref_slice %arg2[%add3A, %dma_start3A_15] : memref<16x4096xi32, #tpu.memory_space<hbm>> -> memref<1x4096xi32, #tpu.memory_space<hbm>>
        %dma_start3A_17 = tpu.memref_squeeze %dma_start3A_16 : memref<1x4096xi32, #tpu.memory_space<hbm>> -> memref<4096xi32, #tpu.memory_space<hbm>>
        tpu.enqueue_dma source(%dma_start3A_17 : memref<4096xi32, #tpu.memory_space<hbm>>) target(%arg5 : memref<4096xi32, #tpu.memory_space<vmem>>) target_semaphore(%run_scoped3A : memref<!tpu.dma_semaphore, #tpu.memory_space<semaphore_mem>>)
        %dma_wait3A_18 = arith.constant 0 : i32
        %dma_wait3A_19 = tpu.memref_slice %arg2[%add3A, %dma_wait3A_18] : memref<16x4096xi32, #tpu.memory_space<hbm>> -> memref<1x4096xi32, #tpu.memory_space<hbm>>
        %dma_wait3A_20 = tpu.memref_squeeze %dma_wait3A_19 : memref<1x4096xi32, #tpu.memory_space<hbm>> -> memref<4096xi32, #tpu.memory_space<hbm>>
        %dma_wait3A_21 = arith.constant 0 : i32
        %dma_wait3A_22 = tpu.memref_slice %arg2[%add3A, %dma_wait3A_21] : memref<16x4096xi32, #tpu.memory_space<hbm>> -> memref<1x4096xi32, #tpu.memory_space<hbm>>
        %dma_wait3A_23 = tpu.memref_squeeze %dma_wait3A_22 : memref<1x4096xi32, #tpu.memory_space<hbm>> -> memref<4096xi32, #tpu.memory_space<hbm>>
        tpu.wait_dma2 semaphore(%run_scoped3A : memref<!tpu.dma_semaphore, #tpu.memory_space<semaphore_mem>>) src(%dma_wait3A_23 : memref<4096xi32, #tpu.memory_space<hbm>>) dst(%arg5 : memref<4096xi32, #tpu.memory_space<vmem>>)
        tpu.yield
      }) : () -> ()
      %mul3A_3 = arith.constant 4096 : i32
      %mul3A_4 = arith.muli %add3A, %mul3A_3 : i32
      %broadcast_in_dim3A = vector.broadcast %mul3A_4 : i32 to vector<16xi32>
      %swap3A = arith.constant 0 : index
      %swap3A_5 = tpu.vector_load %arg6[%swap3A] {strides = array<i32>} : memref<16xi32, #tpu.memory_space<vmem>>, vector<16xi32>,
      tpu.vector_store %arg6[%swap3A], %broadcast_in_dim3A {strides = array<i32>} : memref<16xi32, #tpu.memory_space<vmem>>, vector<16xi32>,
      %while3A = arith.constant 255 : i32
      %while3A_6 = arith.constant 0 : i32
      %while3A_7:2 = scf.while (%while3A_12 = %while3A, %while3A_13 = %while3A_6) : (i32, i32) -> (i32, i32) {
        %lt3A_14 = arith.constant 10 : i32
        %lt3A_15 = arith.cmpi slt, %while3A_13, %lt3A_14 : i32
        %ge3A = arith.constant 0 : i32
        %ge3A_16 = arith.cmpi sge, %while3A_12, %ge3A : i32
        %and3A = arith.andi %lt3A_15, %ge3A_16 : i1
        scf.condition(%and3A) %while3A_12, %while3A_13 : i32, i32
      } do {
      ^bb0(%while3A_12: i32, %while3A_13: i32):
        %mul3A_14 = arith.constant 16 : i32
        %mul3A_15 = arith.muli %while3A_12, %mul3A_14 : i32
        %get3A = arith.index_cast %mul3A_15 : i32 to index
        %get3A_16 = tpu.vector_load %arg5[%get3A] {strides = array<i32>} : memref<4096xi32, #tpu.memory_space<vmem>>, vector<16xi32>,
        %broadcast_in_dim3A_17 = arith.constant true
        %broadcast_in_dim3A_18 = vector.broadcast %broadcast_in_dim3A_17 : i1 to vector<16xi1>
        %masked_cumsum3A = tpu.scan <sum>, %get3A_16 masked %broadcast_in_dim3A_18 : vector<16xi32>, vector<16xi1> -> vector<16xi32>
        %reduce_sum3A = arith.constant true
        %reduce_sum3A_19 = vector.broadcast %reduce_sum3A : i1 to vector<16xi1>
        %reduce_sum3A_20 = tpu.scan <sum>, %get3A_16 masked %reduce_sum3A_19 : vector<16xi32>, vector<16xi1> -> vector<16xi32>
        %reduce_sum3A_21 = vector.extract %reduce_sum3A_20[15] : i32 from vector<16xi32>
        %sub3A = vector.broadcast %reduce_sum3A_21 : i32 to vector<16xi32>
        %sub3A_22 = arith.subi %sub3A, %masked_cumsum3A : vector<16xi32>
        %add3A_23 = arith.addi %sub3A_22, %get3A_16 : vector<16xi32>
        %add3A_24 = vector.broadcast %while3A_13 : i32 to vector<16xi32>
        %add3A_25 = arith.addi %add3A_23, %add3A_24 : vector<16xi32>
        %gt3A = arith.constant 0 : i32
        %gt3A_26 = vector.broadcast %gt3A : i32 to vector<16xi32>
        %gt3A_27 = arith.cmpi sgt, %get3A_16, %gt3A_26 : vector<16xi32>
        %le3A = arith.constant 10 : i32
        %le3A_28 = vector.broadcast %le3A : i32 to vector<16xi32>
        %le3A_29 = arith.cmpi sle, %add3A_25, %le3A_28 : vector<16xi32>
        %and3A = arith.andi %gt3A_27, %le3A_29 : vector<16xi1>
        %sub3A_30 = arith.constant 10 : i32
        %sub3A_31 = vector.broadcast %sub3A_30 : i32 to vector<16xi32>
        %sub3A_32 = arith.subi %sub3A_31, %add3A_25 : vector<16xi32>
        %jit3A = arith.constant 0 : i32
        %jit3A_33 = arith.constant 15 : i32
        %max3A = vector.broadcast %jit3A : i32 to vector<16xi32>
        %max3A_34 = arith.maxsi %max3A, %sub3A_32 : vector<16xi32>
        %min3A = vector.broadcast %jit3A_33 : i32 to vector<16xi32>
        %min3A_35 = arith.minsi %min3A, %max3A_34 : vector<16xi32>
        %mul3A_36 = arith.constant 4096 : i32
        %mul3A_37 = arith.muli %add3A, %mul3A_36 : i32
        %mul3A_38 = arith.constant 16 : i32
        %mul3A_39 = arith.muli %while3A_12, %mul3A_38 : i32
        %add3A_40 = arith.addi %mul3A_37, %mul3A_39 : i32
        %iota3A = tpu.iota {dimensions = array<i32: 0>} : vector<16xi32>
        %add3A_41 = vector.broadcast %add3A_40 : i32 to vector<16xi32>
        %add3A_42 = arith.addi %add3A_41, %iota3A : vector<16xi32>
        tpu.vector_store_idx %arg6[%min3A_35], %add3A_42 masked %and3A : memref<16xi32, #tpu.memory_space<vmem>>[vector<16xi32>], vector<16xi32>, vector<16xi1>
        %sub3A_43 = arith.constant 1 : i32
        %sub3A_44 = arith.subi %while3A_12, %sub3A_43 : i32
        %add3A_45 = arith.addi %while3A_13, %reduce_sum3A_21 : i32
        scf.yield %sub3A_44, %add3A_45 : i32, i32
      }
      %dma_start3A = arith.constant 0 : i32
      %dma_start3A_8 = arith.constant 0 : i32
      %dma_start3A_9 = tpu.memref_slice %arg3[%dma_start3A, %dma_start3A_8] : memref<65536x256xf32, #tpu.memory_space<hbm>> -> memref<65536x256xf32, #tpu.memory_space<hbm>>
      tpu.enqueue_indirect_dma source(%dma_start3A_9 : memref<65536x256xf32, #tpu.memory_space<hbm>>) target(%arg7 : memref<16x256xf32, #tpu.memory_space<vmem>>) offsets(%arg6 : memref<16xi32, #tpu.memory_space<vmem>>) semaphore(%arg8 : memref<!tpu.dma_semaphore, #tpu.memory_space<semaphore_mem>>)
      %dma_wait3A = arith.constant 0 : i32
      %dma_wait3A_10 = arith.constant 0 : i32
      %dma_wait3A_11 = tpu.memref_slice %arg3[%dma_wait3A, %dma_wait3A_10] : memref<65536x256xf32, #tpu.memory_space<hbm>> -> memref<65536x256xf32, #tpu.memory_space<hbm>>
      tpu.wait_indirect_dma semaphore(%arg8 : memref<!tpu.dma_semaphore, #tpu.memory_space<semaphore_mem>>) src(%dma_wait3A_11 : memref<65536x256xf32, #tpu.memory_space<hbm>>) dst(%arg7 : memref<16x256xf32, #tpu.memory_space<vmem>>)
      "tpu.region"() ({
        %run_scoped3A = tpu.sem_alloc : memref<!tpu.dma_semaphore, #tpu.memory_space<semaphore_mem>>
        %dma_start3A_12 = arith.constant 0 : i32
        %dma_start3A_13 = arith.constant 0 : i32
        %dma_start3A_14 = tpu.memref_slice %arg4[%add3A, %dma_start3A_12, %dma_start3A_13] : memref<16x16x256xf32, #tpu.memory_space<hbm>> -> memref<1x16x256xf32, #tpu.memory_space<hbm>>
        %dma_start3A_15 = tpu.memref_squeeze %dma_start3A_14 : memref<1x16x256xf32, #tpu.memory_space<hbm>> -> memref<16x256xf32, #tpu.memory_space<hbm>>
        %dma_start3A_16 = arith.constant 0 : i32
        %dma_start3A_17 = arith.constant 0 : i32
        %dma_start3A_18 = tpu.memref_slice %arg4[%add3A, %dma_start3A_16, %dma_start3A_17] : memref<16x16x256xf32, #tpu.memory_space<hbm>> -> memref<1x16x256xf32, #tpu.memory_space<hbm>>
        %dma_start3A_19 = tpu.memref_squeeze %dma_start3A_18 : memref<1x16x256xf32, #tpu.memory_space<hbm>> -> memref<16x256xf32, #tpu.memory_space<hbm>>
        tpu.enqueue_dma source(%arg7 : memref<16x256xf32, #tpu.memory_space<vmem>>) target(%dma_start3A_19 : memref<16x256xf32, #tpu.memory_space<hbm>>) target_semaphore(%run_scoped3A : memref<!tpu.dma_semaphore, #tpu.memory_space<semaphore_mem>>)
        %dma_wait3A_20 = arith.constant 0 : i32
        %dma_wait3A_21 = arith.constant 0 : i32
        %dma_wait3A_22 = tpu.memref_slice %arg4[%add3A, %dma_wait3A_20, %dma_wait3A_21] : memref<16x16x256xf32, #tpu.memory_space<hbm>> -> memref<1x16x256xf32, #tpu.memory_space<hbm>>
        %dma_wait3A_23 = tpu.memref_squeeze %dma_wait3A_22 : memref<1x16x256xf32, #tpu.memory_space<hbm>> -> memref<16x256xf32, #tpu.memory_space<hbm>>
        %dma_wait3A_24 = arith.constant 0 : i32
        %dma_wait3A_25 = arith.constant 0 : i32
        %dma_wait3A_26 = tpu.memref_slice %arg4[%add3A, %dma_wait3A_24, %dma_wait3A_25] : memref<16x16x256xf32, #tpu.memory_space<hbm>> -> memref<1x16x256xf32, #tpu.memory_space<hbm>>
        %dma_wait3A_27 = tpu.memref_squeeze %dma_wait3A_26 : memref<1x16x256xf32, #tpu.memory_space<hbm>> -> memref<16x256xf32, #tpu.memory_space<hbm>>
        tpu.wait_dma2 semaphore(%run_scoped3A : memref<!tpu.dma_semaphore, #tpu.memory_space<semaphore_mem>>) src(%arg7 : memref<16x256xf32, #tpu.memory_space<vmem>>) dst(%dma_wait3A_27 : memref<16x256xf32, #tpu.memory_space<hbm>>)
        tpu.yield
      }) : () -> ()
    } else {
    }
    return
  }
}

</mosaic_0001>

<sc_bundles>
// kernel: kernel.3.cloned.1.call-start
scs
__scs_entry_jumppad:
0x0: {  	(pc) =	sbr.rel $0x88, $3  }
0x1: {  	(tag) =	ssettag $0x0;
	lr =	simm.s32 $0x1  }
0x2: {  	[smem:$0x3F9F] =	sst lr;
	_ =	strace $0xD0000000  }
0x3: {  	_ = 	snop  }
0x4: {  	_ = 	snop  }
0x5: {  	_ = 	snop  }
0x6: {  	_ = 	snop  }
0x7: {  	_ = 	snop  }
__scs_overlays_trampoline_lowered:
0x8: {  	[smem:$0x3FAE] =	sst s0  }
0x9: {  	[smem:$0x3FAF] =	sst s1  }
0xa: {  	[smem:$0x3FB0] =	sst s2  }
0xb: {  	[smem:$0x3FB1] =	sst s3  }
0xc: {  	[smem:$0x3FB2] =	sst s4  }
0xd: {  	[smem:$0x3FB3] =	sst s5  }
0xe: {  	[smem:$0x3FB4] =	sst s6  }
0xf: {  	[smem:$0x3FB5] =	sst s7  }
0x10: {  	[smem:$0x3FB6] =	sst s8  }
0x11: {  	[smem:$0x3FB7] =	sst s9;
	s0 =	simm.s32 @!p0 $0x0  }
0x12: {  	s1 =	sld [smem:$0x3F9D];
	s0 =	simm.s32 @p0 $0x1  }
0x13: {  	[smem:$0x3FB8] =	sst s0;
	s0 =	simm.s32 @!p1 $0x0  }
0x14: {  	s2 =	sld [smem:$0x3F9C];
	s0 =	simm.s32 @p1 $0x1  }
0x15: {  	[smem:$0x3FB9] =	sst s0;
	s0 =	simm.s32 @!p2 $0x0  }
0x16: {  	s3 =	sld [smem:$0x3FDB];
	s0 =	simm.s32 @p2 $0x1  }
0x17: {  	s4 =	simm.s32 $0x1BF5;
	[smem:$0x3FBB] =	sst s0  }
0x18: {  	s0 =	sld [smem:$0x3F9E];
	_ =	swait.ge [sflag:s4], $0x0  }
0x19: {  	s7 =	sld [smem:$0x3F9F]  }
0x1a: {  	s8 =	sadd.s32 $0xFFFFE003, lr  }
0x1b: {  	s9 =	sadd.s32 $0xFFFFFEF7, lr;
	s5 =	simm.s32 $0xFFFFFFFF;
	p2 =	slt.u32 s8, $0xFFFFF086  }
0x1c: {  	p1 =	slt.u32 s9, $0xF7A;
	s5 =	simm.s32 @!p2 $0x0  }
0x1d: {  	s5 =	simm.s32 @p1 $0x1;
	p0 =	seq.s32 s7, s2  }
0x1e: {  	s7 =	smul.u32 @!p0 $0xF7A, s2;
	p2 =	seq.s32 @!p0 s5, $0x0  }
0x1f: {  	s9 =	smul.u32 $0xF7A, s1;
	s8 =	simm.s32 @!p0 $0x1BF5;
	p2 =	por !p2, p0  }
0x20: {  	[sflag:s8] =	ssyncset.s32 @!p0 $0xFFFFF086;
	s6 =	sadd.s32 @!p0 s3, s7;
	s7 =	simm.s32 @!p0 $0x108  }
0x21: {  	s3 =	sadd.s32 s3, s9;
	s6 =	sadd.s32 @!p0 $0x88, s6;
	s7 =	simm.s32 @p2 $0x1082  }
0x22: {  	[simem:s7], [sflag:s8] =	dma.local @!p0 [hbm:s6], $0xF7A  }
0x23: {  	s9 =	sor.u32 $0xD0000000, s2;
	s6 =	simm.s32 $0x108;
	_ =	swait.ge @!p0 [sflag:s8], $0x0  }
0x24: {  	s3 =	sadd.s32 $0x88, s3;
	s6 =	simm.s32 @!p1 $0x1082;
	[sflag:s4] =	ssyncset.s32 $0xFFFFF086  }
0x25: {  	[simem:s6], [sflag:s4] =	dma.local [hbm:s3], $0xF7A  }
0x26: {  	[smem:$0x3F9F] =	sst s1;
	(tag) =	ssettag s2;
	_ =	strace s9  }
0x27: {  	s1 =	sld [smem:$0x3FAF]  }
0x28: {  	s2 =	sld [smem:$0x3FB0]  }
0x29: {  	s4 =	sld [smem:$0x3FB2]  }
0x2a: {  	p0 =	seq.s32 s5, $0x0;
	s5 =	sld [smem:$0x3FB3]  }
0x2b: {  	s6 =	sld [smem:$0x3FB4]  }
0x2c: {  	s7 =	sld [smem:$0x3FB5]  }
0x2d: {  	s3 =	simm.s32 $0x108;
	s8 =	sld [smem:$0x3FB6]  }
0x2e: {  	s3 =	simm.s32 @!p0 $0x1082;
	s9 =	sld [smem:$0x3FB7]  }
0x2f: {  	lr =	sadd.s32 s0, s3;
	s0 =	sld [smem:$0x3FAE]  }
0x30: {  	s3 =	sld [smem:$0x3FB1]  }
0x31: {  	[smem:$0x3FBA] =	sst s10  }
0x32: {  	s10 =	sld [smem:$0x3FB8];
	_ =	sdelay $0x3  }
0x33: {  	p0 =	seq.s32 s10, $0x1;
	s10 =	sld [smem:$0x3FBA];
	_ =	sdelay $0x3  }
0x34: {  	[smem:$0x3FBA] =	sst s10  }
0x35: {  	s10 =	sld [smem:$0x3FB9];
	_ =	sdelay $0x3  }
0x36: {  	p1 =	seq.s32 s10, $0x1;
	s10 =	sld [smem:$0x3FBA];
	_ =	sdelay $0x3  }
0x37: {  	[smem:$0x3FBA] =	sst s10  }
0x38: {  	s10 =	sld [smem:$0x3FBB]  }
0x39: {  	_ = 	snop;
	(pc) =	sbr.ind lr, $3  }
0x3a: {  	_ = 	snop  }
0x3b: {  	_ = 	snop  }
0x3c: {  	p2 =	seq.s32 s10, $0x1;
	s10 =	sld [smem:$0x3FBA]  }
0x3d: {  	_ =	shalt  }
0x3e: {  	_ =	shalt  }
0x3f: {  	_ =	shalt  }
0x40: {  	_ =	shalt  }
0x41: {  	_ =	shalt  }
0x42: {  	_ =	shalt  }
0x43: {  	_ =	shalt  }
0x44: {  	_ =	shalt  }
0x45: {  	_ =	shalt  }
0x46: {  	_ =	shalt  }
0x47: {  	_ =	shalt  }
0x48: {  	_ =	shalt  }
0x49: {  	_ =	shalt  }
0x4a: {  	_ =	shalt  }
0x4b: {  	_ =	shalt  }
0x4c: {  	_ =	shalt  }
0x4d: {  	_ =	shalt  }
0x4e: {  	_ =	shalt  }
0x4f: {  	_ =	shalt  }
0x50: {  	_ =	shalt  }
0x51: {  	_ =	shalt  }
0x52: {  	_ =	shalt  }
0x53: {  	_ =	shalt  }
0x54: {  	_ =	shalt  }
0x55: {  	_ =	shalt  }
0x56: {  	_ =	shalt  }
0x57: {  	_ =	shalt  }
0x58: {  	_ =	shalt  }
0x59: {  	_ =	shalt  }
0x5a: {  	_ =	shalt  }
0x5b: {  	_ =	shalt  }
0x5c: {  	_ =	shalt  }
0x5d: {  	_ =	shalt  }
0x5e: {  	_ =	shalt  }
0x5f: {  	_ =	shalt  }
0x60: {  	_ =	shalt  }
0x61: {  	_ =	shalt  }
0x62: {  	_ =	shalt  }
0x63: {  	_ =	shalt  }
0x64: {  	_ =	shalt  }
0x65: {  	_ =	shalt  }
0x66: {  	_ =	shalt  }
0x67: {  	_ =	shalt  }
0x68: {  	_ =	shalt  }
0x69: {  	_ =	shalt  }
0x6a: {  	_ =	shalt  }
0x6b: {  	_ =	shalt  }
0x6c: {  	_ =	shalt  }
0x6d: {  	_ =	shalt  }
0x6e: {  	_ =	shalt  }
0x6f: {  	_ =	shalt  }
0x70: {  	_ =	shalt  }
0x71: {  	_ =	shalt  }
0x72: {  	_ =	shalt  }
0x73: {  	_ =	shalt  }
0x74: {  	_ =	shalt  }
0x75: {  	_ =	shalt  }
0x76: {  	_ =	shalt  }
0x77: {  	_ =	shalt  }
0x78: {  	_ =	shalt  }
0x79: {  	_ =	shalt  }
0x7a: {  	_ =	shalt  }
0x7b: {  	_ =	shalt  }
0x7c: {  	_ =	shalt  }
0x7d: {  	_ =	shalt  }
0x7e: {  	_ =	shalt  }
0x7f: {  	_ =	shalt  }
0x80: {  	_ =	shalt  }
0x81: {  	_ =	shalt  }
0x82: {  	_ =	shalt  }
0x83: {  	_ =	shalt  }
0x84: {  	_ =	shalt  }
0x85: {  	_ =	shalt  }
0x86: {  	_ =	shalt  }
0x87: {  	_ =	shalt  }
.Lfunc_end0:
.L_simem_size_0:
called_computation_lowered:
.L_overlay_start_0:
0x88: {  	s2 =	sld [smem:$0x3FD9]  }
0x89: {  	s3 =	sld [smem:$0x3FFE];
	_ =	sdelay $0x1  }
0x8a: {  	s1 =	srdreg.scid  }
0x8b: {  	s0 =	sand.u32 $0x1, s1  }
0x8c: {  	s17 =	sshll.u32 s0, $0xA;
	s2 =	sadd.s32 s3, s2  }
0x8d: {  	s2 =	sadd.s32 s2, s17  }
0x8e: {  	[smem:$0x3FC6] =	sst s2  }
0x8f: {  	_ = 	snop  }
0x90: {  	s2 =	sld [smem:$0x3FC9];
	(tm) =	ssettm $0x1  }
0x91: {  	s18 =	sld [smem:$0x3FFB];
	_ =	sdelay $0x3  }
0x92: {  	_ =	strace s18  }
0x93: {  	s3 =	sld [smem:$0x3FFC];
	_ =	sdelay $0x3  }
0x94: {  	_ =	strace s3  }
0x95: {  	s3 =	sld [smem:$0x3FFD];
	_ =	sdelay $0x3  }
0x96: {  	_ =	strace s3  }
0x97: {  	_ =	strace $0x8FFFFFFF  }
0x98: {  	s19 =	sld [smem:$0x3FDB];
	_ =	sdelay $0x1  }
0x99: {  	s4 =	simm.s32 $_scs_section_size  }
0x9a: {  	s5 =	simm.s32 $_size__tile_overlayer_lowered;
	s6 =	simm.s32 $_tile_overlayer_lowered  }
0x9b: {  	s22 =	simm.s32 $0x1BFF;
	s21 =	sshll.u32 s6, $0x1;
	s3 =	sadd.s32 s4, s19  }
0x9c: {  	s7 =	simm.s32 $0x0;
	s20 =	sshll.u32 s5, $0x1;
	s5 =	sadd.s32 s21, s3  }
0x9d: {  	[timem:s7], [sflag:s22] =	dma.local [hbm:s5], s20  }
0x9e: {  	_ =	swait.ge [sflag:s22], s20  }
0x9f: {  	s4 =	ssub.s32 $0x0, s20;
	[sflag:s22] =	ssyncset.done $0x0  }
0xa0: {  	[sflag:s22] =	ssyncadd.s32 s4;
	_ =	sdelay $0x1  }
0xa1: {  	s23 =	simm.s32 $0x1B8B  }
0xa2: {  	_ =	swait.ge [sflag:s23], $0x1  }
0xa3: {  	[sflag:s23] =	ssyncset.done $0x0  }
0xa4: {  	s25 =	simm.s32 $0x1B8E;
	s24 =	sld [smem:$0x3FFE];
	[sflag:s23] =	ssyncadd.s32 $0xFFFFFFFF  }
0xa5: {  	s26 =	simm.s32 $execute0_lowered;
	[smem:$0x3FD2] =	sst s25  }
0xa6: {  	s5 =	sshll.u32 s26, $0x1;
	_ =	strace $0x80000046;
	[dreg:$0x1] =	wrdreg $0xFFFFFFFF  }
0xa7: {  	s28 =	simm.s32 $_size_execute0_lowered;
	s3 =	sadd.s32 s3, s5;
	[dreg:$0x0] =	wrdreg $0x0  }
0xa8: {  	s5 =	sshll.u32 s28, $0x1;
	[dreg:$0x2] =	wrdreg s3  }
0xa9: {  	[dreg:$0x3] =	wrdreg s5  }
0xaa: {  	[dreg:$0x4] =	wrdreg $0xC0  }
0xab: {  	_ =	task [dreg:s7], $0x5FFFF  }
0xac: {  	[dreg:$0x1] =	wrdreg $0xFFFFFFFF  }
0xad: {  	[dreg:$0x0] =	wrdreg $0x60  }
0xae: {  	[dreg:$0x2] =	wrdreg s24  }
0xaf: {  	[dreg:$0x3] =	wrdreg s2  }
0xb0: {  	[dreg:$0x4] =	wrdreg $0x9  }
0xb1: {  	_ =	task.clear_ibuf [dreg:s7], $0x5FFFF;
	_ =	strace $0x90000046  }
0xb2: {  	s29 =	simm.s32 $0x9;
	_ =	strace $0x80000048  }
0xb3: {  	_ =	swait.ge [sflag:s29], $0x1  }
0xb4: {  	[sflag:s29] =	ssyncadd.s32 $0xFFFFFFFF  }
0xb5: {  	_ =	strace $0x90000048  }
0xb6: {  	_ =	sfence  }
0xb7: {  	s30 =	sld [smem:$0x0];
	_ =	sdelay $0x2  }
0xb8: {  	s31 =	sshll.u32 s1, $0xD;
	s1 =	sshrl.u32 s1, $0x2  }
0xb9: {  	s3 =	sand.u32 $0x4000, s31;
	s1 =	sadd.s32 s1, s30  }
0xba: {  	s0 =	sor.u32 s3, s0;
	s1 =	sshll.u32 s1, $0x11  }
0xbb: {  	s0 =	sor.u32 s1, s0  }
0xbc: {  	s0 =	sadd.s32 $0x8F2B, s0  }
0xbd: {  	[sflag:s0] =	ssyncadd.remote.s32 $0x1  }
0xbe: {  	_ =	sfence.sel $0xFFFF  }
0xbf: {  	[dreg:$0x0] =	wrdreg $0xFFFFFFFF;
	(pc) =	sbr.abs _section_cstart, $3  }
0xc0: {  	[dreg:$0x1] =	wrdreg $0xFFFFFFFF  }
0xc1: {  	_ =	task.clear_ibuf [dreg:s7], $0x2FFFF;
	_ =	strace $0x9FFFFFFF  }
0xc2: {  	(tm) =	ssettm $0x7FFFFFFF  }
0xc3: {  	_ =	shalt  }
tec
execute0_lowered:
.L_overlay_start_1:
0x0: {  	(tag) =	ssettag $0x1  }
0x1: {  	s1 =	stileid.u32  }
0x2: {  	p0 =	sgt.u32 s1, $0x7  }
.Ltmp0:
0x3: {  	_ = 	snop;
	(pc) =	sbr.rel @p0 .LBB2_5-.Ltmp0, $4  }
0x4: {  	s4 =	rddreg [dreg:$0x0]  }
0x5: {  	s2 =	rddreg [dreg:$0x1];
	s3 =	simm.s32 $0x0  }
0x6: {  	[smem:$0x7FF] =	sst s3  }
0x7: {  	s0 =	rddreg [dreg:$0x2];
	_ =	strace $0x80000047  }
0x8: {  	s5 =	srdreg.scid  }
0x9: {  	s6 =	sshll.u32 s1, $0x1;
	s8 =	sadd.s32 $0x400, s4;
	s29 =	sshll.u32 s1, $0xD  }
0xa: {  	s12 =	simm.s32 $0x1080;
	s13 =	simm.s32 $0x1880;
	s5 =	sand.u32 $0x1, s5  }
0xb: {  	s14 =	simm.s32 $0x1;
	s15 =	simm.s32 $0x0;
	s6 =	sor.u32 s5, s6  }
0xc: {  	s28 =	ssub.s32 $0x2, s5;
	s30 =	sshll.u32 s5, $0xC;
	s7 =	sshll.u32 s6, $0x9  }
0xd: {  	s10 =	sshll.u32 s6, $0xC;
	s6 =	sshll.u32 s6, $0x7;
	s9 =	sshrl.u32 s28, $0x1  }
0xe: {  	s31 =	sor.u32 s30, s29;
	s11 =	sand.u32 $0x8000, s10;
	s6 =	sand.u32 $0x380, s6  }
0xf: {  	s26 =	sadd.s32 s7, s4;
	s7 =	ssub.s32 s28, s9;
	s6 =	sor.u32 s6, s11  }
0x10: {  	v0 =	vlaneseq.u32;
	s9 =	simm.s32 $0x400;
	v1 =	vmov s10;
	s10 =	simm.s32 $0x2;
	s6 =	sshrl.u32 s6, $0x3  }
0x11: {  	vm0 =	vmmov $0xffff;
	v3 =	vshrl.u32 v0, $0x3;
	s4 =	sadd.s32 $0x2400, s26;
	s11 =	simm.s32 $0x1000;
	s5 =	sadd.s32 s8, s6  }
0x12: {  	v2 =	vand.u32 $0x7, v0;
	v4 =	vor.u32 $0x8, v0;
	v3 =	vmul.u32 $0x8, v3;
	s6 =	smax.u32 s7, $0x1;
	s7 =	sor.u32 $0xFF0, s31;
	s8 =	simm.s32 $0x80  }
.LBB2_2:
0x13: {  	s16 =	simm.s32 $0x0  }
0x14: {  	[tilespmem:s16], [sflag:$0x2] =	stream.strided.gather [hbm4b:s5+s8], $0x1000, s9, s8, $0x38;
	[tilespmem:$0x2080] =	vst v63  }
0x15: {  	_ =	swait.ge [sflag:s10], $0x1000  }
0x16: {  	[sflag:s10] =	ssyncset.done $0x0  }
0x17: {  	[sflag:s10] =	ssyncadd.s32 $0xFFFFF000  }
0x18: {  	s17 =	simm.s32 $0x3FC0;
	s18 =	smov.u32 s7;
	[tilespmem:$0x1000] =	vst v1  }
.LBB2_3:
0x19: {  	s19 =	sshra.s32 s17, $0x2  }
0x1a: {  	v5 =	vld [tilespmem:s19+$0x0];
	_ =	sdelay $0x4  }
0x1b: {  	(xrf0) =	vadd.scan.msk.s32 $0xffff, v5;
	_ =	sdelay $0x5  }
0x1c: {  	v6, _, _ =	vpop (xrf0)  }
0x1d: {  	(v2sf) =	vpush v6, $0xF;
	_ =	sdelay $0xb  }
0x1e: {  	v8 =	vadd.s32 s16, v5;
	v7 =	vbroadcast v6, $0xF  }
0x1f: {  	v6 =	vsub.s32 v8, v6  }
0x20: {  	v6 =	vadd.s32 v7, v6  }
0x21: {  	v7 =	vsub.s32 $0xA, v6;
	s31 =	spop (v2sf)  }
0x22: {  	p0 =	seq.s32 s17, $0x0;
	vm1 =	vgt.s32 v5, $0x0;
	vm2 =	vlt.s32 v6, $0xB;
	vm3 =	vgt.s32 v7, $0x0;
	s16 =	sadd.s32 s16, s31  }
0x23: {  	vm1 =	vmand vm1, vm2;
	v5 =	vnsel vm3, $0x0, v7;
	p1 =	slt.s32 @!p0 s16, $0xA  }
0x24: {  	v5 =	vmin.u32 v5, $0xF;
	p0 =	por p0, !p1  }
.Ltmp1:
0x25: {  	_ = 	snop;
	(pc) =	sbr.rel @!p0 .LBB2_3-.Ltmp1, $3  }
0x26: {  	_ =	sdelay $0x1  }
0x27: {  	v6 =	vor.u32 s18, v0  }
0x28: {  	s17 =	sadd.s32 $0xFFFFFFC0, s17;
	s18 =	sadd.s32 $0xFFFFFFF0, s18;
	[tilespmem:v5+s11+$0x0] =	vst.idx.msk vm1, v6  }
0x29: {  	v5 =	vld [tilespmem:$0x1000];
	_ =	sdelay $0x4  }
0x2a: {  	v6 =	vshll.u32 v5, $0x1  }
0x2b: {  	v5 =	vand.u32 $0x7, v5;
	v6 =	vand.u32 $0xFFFFFFF0, v6  }
0x2c: {  	v5 =	vor.u32 v5, v6  }
0x2d: {  	v6 =	vperm.xlane v5, v2;
	_ =	sdelay $0x1  }
0x2e: {  	v5 =	vperm.xlane v5, v4;
	v6 =	vadd.s32 v3, v6;
	_ =	sdelay $0x1  }
0x2f: {  	v5 =	vadd.s32 v3, v5;
	_ =	sdelay $0x2  }
0x30: {  	[tilespmem:s12], [sflag:$0x1] =	stream.indirect_vreg.gather [hbm4b:s2+s3], $0x80, v6, vm0, $0xb8;
	[tilespmem:$0x2080] =	vst v63  }
0x31: {  	_ = 	snop  }
0x32: {  	[tilespmem:s13], [sflag:$0x1] =	stream.indirect_vreg.gather [hbm4b:s2+s3], $0x80, v5, vm0, $0xb8;
	[tilespmem:$0x2080] =	vst v63  }
0x33: {  	s15 =	sadd.s32 $0x1, s15;
	_ =	swait.ge [sflag:s14], $0x1000  }
0x34: {  	p0 =	sne.s32 s15, s6;
	[sflag:s14] =	ssyncset.done $0x0  }
.Ltmp2:
0x35: {  	[sflag:s14] =	ssyncadd.s32 $0xFFFFF000;
	(pc) =	sbr.rel @p0 .LBB2_2-.Ltmp2, $4  }
0x36: {  	[hbm4b:s4+s3] =	stream.linear.scatter [tilespmem:s12], [sflag:$0x2], $0x1000, $0x38;
	[tilespmem:$0x2080] =	vst v63  }
0x37: {  	_ =	swait.ge [sflag:s10], $0x1000  }
0x38: {  	[sflag:s10] =	ssyncset.done $0x0  }
0x39: {  	[sflag:s10] =	ssyncadd.s32 $0xFFFFF000  }
.LBB2_5:
0x3a: {  	_ =	sfence.sel $0x180000  }
0x3b: {  	[bflag:$0x0] =	sbarrier.arrive $0xFFFF  }
0x3c: {  	p0 =	sne.s32 s1, $0x0;
	_ =	strace $0x90000047  }
0x3d: {  	s0 =	sadd.s32 @!p0 $0x100000, s0;
	[bflag:$0x2] =	sbarrier.arrive $0xFFFF  }
0x3e: {  	[sflag:s0] =	ssyncadd.tile.s32 @!p0 $0x1;
	_ =	shalt  }
.Lfunc_end2:
_tile_overlayer_lowered:
.L_overlay_start_2:
0x3f: {  	(tag) =	ssettag $0x2  }
0x40: {  	s0 =	rddreg [dreg:$0x0];
	s2 =	stileid.u32  }
0x41: {  	s1 =	rddreg [dreg:$0x1];
	p0 =	sne.s32 s2, $0x0  }
0x42: {  	s3 =	rddreg [dreg:$0x2];
	[bflag:$0x3] =	sbarrier.arrive $0xFFFF;
	s2 =	simm.s32 @!p0 $0x1C02  }
0x43: {  	[timem:s3], [sflag:s2] =	dma.local @!p0 [hbm:s0], s1  }
0x44: {  	s0 =	simm.s32 @!p0 $0x2  }
0x45: {  	_ =	swait.ge @!p0 [sflag:s0], s1  }
0x46: {  	s1 =	ssub.s32 @!p0 $0x0, s1;
	[sflag:s0] =	ssyncset.done @!p0 $0x0  }
0x47: {  	[sflag:s0] =	ssyncadd.s32 @!p0 s1  }
0x48: {  	[bflag:$0x3] =	sbarrier.arrive $0xFFFF  }
0x49: {  	_ =	shalt  }

</sc_bundles>
